<compile_context>
chip_gen: v7x
topology: tpu7x:2x2x1
jax: 0.10.2.dev20260603
libtpu: 0.0.44.dev20260713+nightly
codegen_flags: <defaults>
</compile_context>

<pallas_src>
import functools

import jax
import jax.numpy as jnp
from jax import lax
from jax.experimental import pallas as pl
from jax.experimental.pallas import tpu as pltpu
from jax.experimental.pallas import tpu_sc as plsc

B = 64
N = 64000
F = 512
S = 256
NB = N // S
NF = (N - F) // S + 1

NC = 2
NS = 16
NW = NC * NS
B_PER_W = B // NW


@functools.partial(
    pl.kernel,
    mesh=plsc.VectorSubcoreMesh(core_axis_name="c", subcore_axis_name="s"),
    out_type=jax.ShapeDtypeStruct((B, NF, F), jnp.float32),
    compiler_params=pltpu.CompilerParams(
        use_tc_tiling_on_sc=False,
        disable_bounds_checks=True,
        disable_semaphore_checks=True,
    ),
    scratch_types=[
        pltpu.VMEM((B_PER_W, NB, S), jnp.float32),
        pltpu.SemaphoreType.DMA,
        pltpu.SemaphoreType.DMA,
    ],
)
def _frames_sc(sig_hbm, out_hbm, buf, sem_r, sem_w):
    wid = lax.axis_index("s") * NC + lax.axis_index("c")
    reads = [
        pltpu.async_copy(sig_hbm.at[wid * B_PER_W + t], buf.at[t], sem_r)
        for t in range(B_PER_W)
    ]
    writes = []
    for t in range(B_PER_W):
        b = wid * B_PER_W + t
        reads[t].wait()
        for h in range(2):
            writes.append(pltpu.async_copy(
                buf.at[t, pl.ds(h, NF), :],
                out_hbm.at[b, pl.ds(0, NF), pl.ds(h * S, S)],
                sem_w,
            ))
    for w in writes:
        w.wait()


def kernel(sig):
    sig2 = sig.reshape(B, NB, S)
    out = _frames_sc(sig2)
    return out.reshape(B, 1, NF, F)

# --- scband reference (transcript-rebuilt; emitter-appended) ---
"""Pipeline reference for scband-signal-to-frames-12051678232750 (READ-ONLY COPY).

The authoritative reference and input builder live on the scoring server;
editing this copy changes nothing except your own understanding.
"""

import jax, jax.numpy as jnp
import numpy as np

N_SAMPLES = 64000
F = 512
STRIDE = 256
assert (N_SAMPLES - F) % STRIDE == 0
N_FRAMES = (N_SAMPLES - F) // STRIDE + 1

def _make_idx_mat():
    idx = np.empty((N_FRAMES, F), dtype=np.int32)
    start = 0
    for i in range(N_FRAMES):
        idx[i, :] = np.arange(start, start + F)
        start += STRIDE
    return jnp.asarray(idx)

IDX_MAT = _make_idx_mat()  # [n_frames, F] int32, constant derived from init args


def setup_inputs(seed: int = 0) -> dict:
    key = jax.random.key(seed)
    sig = jax.random.normal(key, (64, 1, N_SAMPLES), dtype=jnp.float32)
    return {"sig": sig}


def reference(sig):
    # sig: [B, 1, n_samples] -> [B, 1, n_frames, F] via advanced-index gather,
    # identical to torch sig[:, :, self.idx_mat]
    return sig[:, :, IDX_MAT]

if __name__ == "__main__":
    import jax
    _d = setup_inputs()
    print(jax.jit(kernel)(*tuple(_d.values())))

</pallas_src>

<mosaic_0001>
#map = affine_map<(d0, d1) -> (0, 0, 0)>
module attributes {stable_mosaic.version = 14 : i64} {
  func.func @_frames_sc(%arg0: i32, %arg1: i32, %arg2: memref<64x250x256xf32, #tpu.memory_space<hbm>>, %arg3: memref<64x249x512xf32, #tpu.memory_space<hbm>>, %arg4: memref<2x250x256xf32, #tpu.memory_space<vmem>>, %arg5: memref<!tpu.dma_semaphore, #tpu.memory_space<semaphore_mem>>, %arg6: memref<!tpu.dma_semaphore, #tpu.memory_space<semaphore_mem>>) attributes {dimension_semantics = [#tpu.dimension_semantics<core_parallel>, #tpu.dimension_semantics<subcore_parallel>], iteration_bounds = array<i64: 2, 16>, scalar_prefetch = 0 : i64, scratch_operands = 3 : i64, tpu.core_type = #tpu.core_type<sc_vector_subcore>, window_params = [{transform_indices = #map}, {transform_indices = #map}]} {
    %mul3A = arith.constant 2 : i32
    %mul3A_0 = arith.muli %arg1, %mul3A : i32
    %add3A = arith.addi %mul3A_0, %arg0 : i32
    %mul3A_1 = arith.constant 2 : i32
    %mul3A_2 = arith.muli %add3A, %mul3A_1 : i32
    %add3A_3 = arith.constant 0 : i32
    %add3A_4 = arith.addi %mul3A_2, %add3A_3 : i32
    %dma_start3A = arith.constant 0 : i32
    %dma_start3A_5 = arith.constant 0 : i32
    %dma_start3A_6 = arith.constant 0 : i32
    %dma_start3A_7 = tpu.memref_slice %arg4[%dma_start3A, %dma_start3A_5, %dma_start3A_6] : memref<2x250x256xf32, #tpu.memory_space<vmem>> -> memref<1x250x256xf32, #tpu.memory_space<vmem>>
    %dma_start3A_8 = tpu.memref_squeeze %dma_start3A_7 : memref<1x250x256xf32, #tpu.memory_space<vmem>> -> memref<250x256xf32, #tpu.memory_space<vmem>>
    %dma_start3A_9 = arith.constant 0 : i32
    %dma_start3A_10 = arith.constant 0 : i32
    %dma_start3A_11 = tpu.memref_slice %arg2[%add3A_4, %dma_start3A_9, %dma_start3A_10] : memref<64x250x256xf32, #tpu.memory_space<hbm>> -> memref<1x250x256xf32, #tpu.memory_space<hbm>>
    %dma_start3A_12 = tpu.memref_squeeze %dma_start3A_11 : memref<1x250x256xf32, #tpu.memory_space<hbm>> -> memref<250x256xf32, #tpu.memory_space<hbm>>
    %dma_start3A_13 = arith.constant 0 : i32
    %dma_start3A_14 = arith.constant 0 : i32
    %dma_start3A_15 = tpu.memref_slice %arg4[%dma_start3A, %dma_start3A_13, %dma_start3A_14] : memref<2x250x256xf32, #tpu.memory_space<vmem>> -> memref<1x250x256xf32, #tpu.memory_space<vmem>>
    %dma_start3A_16 = tpu.memref_squeeze %dma_start3A_15 : memref<1x250x256xf32, #tpu.memory_space<vmem>> -> memref<250x256xf32, #tpu.memory_space<vmem>>
    %dma_start3A_17 = arith.constant 0 : i32
    %dma_start3A_18 = arith.constant 0 : i32
    %dma_start3A_19 = tpu.memref_slice %arg2[%add3A_4, %dma_start3A_17, %dma_start3A_18] : memref<64x250x256xf32, #tpu.memory_space<hbm>> -> memref<1x250x256xf32, #tpu.memory_space<hbm>>
    %dma_start3A_20 = tpu.memref_squeeze %dma_start3A_19 : memref<1x250x256xf32, #tpu.memory_space<hbm>> -> memref<250x256xf32, #tpu.memory_space<hbm>>
    tpu.enqueue_dma source(%dma_start3A_20 : memref<250x256xf32, #tpu.memory_space<hbm>>) target(%dma_start3A_16 : memref<250x256xf32, #tpu.memory_space<vmem>>) target_semaphore(%arg5 : memref<!tpu.dma_semaphore, #tpu.memory_space<semaphore_mem>>)
    %mul3A_21 = arith.constant 2 : i32
    %mul3A_22 = arith.muli %add3A, %mul3A_21 : i32
    %add3A_23 = arith.constant 1 : i32
    %add3A_24 = arith.addi %mul3A_22, %add3A_23 : i32
    %dma_start3A_25 = arith.constant 1 : i32
    %dma_start3A_26 = arith.constant 0 : i32
    %dma_start3A_27 = arith.constant 0 : i32
    %dma_start3A_28 = tpu.memref_slice %arg4[%dma_start3A_25, %dma_start3A_26, %dma_start3A_27] : memref<2x250x256xf32, #tpu.memory_space<vmem>> -> memref<1x250x256xf32, #tpu.memory_space<vmem>>
    %dma_start3A_29 = tpu.memref_squeeze %dma_start3A_28 : memref<1x250x256xf32, #tpu.memory_space<vmem>> -> memref<250x256xf32, #tpu.memory_space<vmem>>
    %dma_start3A_30 = arith.constant 0 : i32
    %dma_start3A_31 = arith.constant 0 : i32
    %dma_start3A_32 = tpu.memref_slice %arg2[%add3A_24, %dma_start3A_30, %dma_start3A_31] : memref<64x250x256xf32, #tpu.memory_space<hbm>> -> memref<1x250x256xf32, #tpu.memory_space<hbm>>
    %dma_start3A_33 = tpu.memref_squeeze %dma_start3A_32 : memref<1x250x256xf32, #tpu.memory_space<hbm>> -> memref<250x256xf32, #tpu.memory_space<hbm>>
    %dma_start3A_34 = arith.constant 0 : i32
    %dma_start3A_35 = arith.constant 0 : i32
    %dma_start3A_36 = tpu.memref_slice %arg4[%dma_start3A_25, %dma_start3A_34, %dma_start3A_35] : memref<2x250x256xf32, #tpu.memory_space<vmem>> -> memref<1x250x256xf32, #tpu.memory_space<vmem>>
    %dma_start3A_37 = tpu.memref_squeeze %dma_start3A_36 : memref<1x250x256xf32, #tpu.memory_space<vmem>> -> memref<250x256xf32, #tpu.memory_space<vmem>>
    %dma_start3A_38 = arith.constant 0 : i32
    %dma_start3A_39 = arith.constant 0 : i32
    %dma_start3A_40 = tpu.memref_slice %arg2[%add3A_24, %dma_start3A_38, %dma_start3A_39] : memref<64x250x256xf32, #tpu.memory_space<hbm>> -> memref<1x250x256xf32, #tpu.memory_space<hbm>>
    %dma_start3A_41 = tpu.memref_squeeze %dma_start3A_40 : memref<1x250x256xf32, #tpu.memory_space<hbm>> -> memref<250x256xf32, #tpu.memory_space<hbm>>
    tpu.enqueue_dma source(%dma_start3A_41 : memref<250x256xf32, #tpu.memory_space<hbm>>) target(%dma_start3A_37 : memref<250x256xf32, #tpu.memory_space<vmem>>) target_semaphore(%arg5 : memref<!tpu.dma_semaphore, #tpu.memory_space<semaphore_mem>>)
    %mul3A_42 = arith.constant 2 : i32
    %mul3A_43 = arith.muli %add3A, %mul3A_42 : i32
    %add3A_44 = arith.constant 0 : i32
    %add3A_45 = arith.addi %mul3A_43, %add3A_44 : i32
    %dma_wait3A = arith.constant 0 : i32
    %dma_wait3A_46 = arith.constant 0 : i32
    %dma_wait3A_47 = arith.constant 0 : i32
    %dma_wait3A_48 = tpu.memref_slice %arg4[%dma_wait3A, %dma_wait3A_46, %dma_wait3A_47] : memref<2x250x256xf32, #tpu.memory_space<vmem>> -> memref<1x250x256xf32, #tpu.memory_space<vmem>>
    %dma_wait3A_49 = tpu.memref_squeeze %dma_wait3A_48 : memref<1x250x256xf32, #tpu.memory_space<vmem>> -> memref<250x256xf32, #tpu.memory_space<vmem>>
    %dma_wait3A_50 = arith.constant 0 : i32
    %dma_wait3A_51 = arith.constant 0 : i32
    %dma_wait3A_52 = tpu.memref_slice %arg2[%add3A_4, %dma_wait3A_50, %dma_wait3A_51] : memref<64x250x256xf32, #tpu.memory_space<hbm>> -> memref<1x250x256xf32, #tpu.memory_space<hbm>>
    %dma_wait3A_53 = tpu.memref_squeeze %dma_wait3A_52 : memref<1x250x256xf32, #tpu.memory_space<hbm>> -> memref<250x256xf32, #tpu.memory_space<hbm>>
    %dma_wait3A_54 = arith.constant 0 : i32
    %dma_wait3A_55 = arith.constant 0 : i32
    %dma_wait3A_56 = tpu.memref_slice %arg4[%dma_wait3A, %dma_wait3A_54, %dma_wait3A_55] : memref<2x250x256xf32, #tpu.memory_space<vmem>> -> memref<1x250x256xf32, #tpu.memory_space<vmem>>
    %dma_wait3A_57 = tpu.memref_squeeze %dma_wait3A_56 : memref<1x250x256xf32, #tpu.memory_space<vmem>> -> memref<250x256xf32, #tpu.memory_space<vmem>>
    %dma_wait3A_58 = arith.constant 0 : i32
    %dma_wait3A_59 = arith.constant 0 : i32
    %dma_wait3A_60 = tpu.memref_slice %arg2[%add3A_4, %dma_wait3A_58, %dma_wait3A_59] : memref<64x250x256xf32, #tpu.memory_space<hbm>> -> memref<1x250x256xf32, #tpu.memory_space<hbm>>
    %dma_wait3A_61 = tpu.memref_squeeze %dma_wait3A_60 : memref<1x250x256xf32, #tpu.memory_space<hbm>> -> memref<250x256xf32, #tpu.memory_space<hbm>>
    tpu.wait_dma2 semaphore(%arg5 : memref<!tpu.dma_semaphore, #tpu.memory_space<semaphore_mem>>) src(%dma_wait3A_61 : memref<250x256xf32, #tpu.memory_space<hbm>>) dst(%dma_wait3A_57 : memref<250x256xf32, #tpu.memory_space<vmem>>)
    %dma_start3A_62 = arith.constant 0 : i32
    %dma_start3A_63 = arith.constant 0 : i32
    %dma_start3A_64 = arith.constant 0 : i32
    %dma_start3A_65 = tpu.memref_slice %arg4[%dma_start3A_62, %dma_start3A_63, %dma_start3A_64] : memref<2x250x256xf32, #tpu.memory_space<vmem>> -> memref<1x249x256xf32, #tpu.memory_space<vmem>>
    %dma_start3A_66 = tpu.memref_squeeze %dma_start3A_65 : memref<1x249x256xf32, #tpu.memory_space<vmem>> -> memref<249x256xf32, #tpu.memory_space<vmem>>
    %dma_start3A_67 = arith.constant 0 : i32
    %dma_start3A_68 = arith.constant 0 : i32
    %dma_start3A_69 = tpu.memref_slice %arg3[%add3A_45, %dma_start3A_67, %dma_start3A_68] : memref<64x249x512xf32, #tpu.memory_space<hbm>> -> memref<1x249x256xf32, #tpu.memory_space<hbm>>
    %dma_start3A_70 = tpu.memref_squeeze %dma_start3A_69 : memref<1x249x256xf32, #tpu.memory_space<hbm>> -> memref<249x256xf32, #tpu.memory_space<hbm>>
    %dma_start3A_71 = arith.constant 0 : i32
    %dma_start3A_72 = arith.constant 0 : i32
    %dma_start3A_73 = tpu.memref_slice %arg3[%add3A_45, %dma_start3A_71, %dma_start3A_72] : memref<64x249x512xf32, #tpu.memory_space<hbm>> -> memref<1x249x256xf32, #tpu.memory_space<hbm>>
    %dma_start3A_74 = tpu.memref_squeeze %dma_start3A_73 : memref<1x249x256xf32, #tpu.memory_space<hbm>> -> memref<249x256xf32, #tpu.memory_space<hbm>>
    %dma_start3A_75 = arith.constant 0 : i32
    %dma_start3A_76 = arith.constant 0 : i32
    %dma_start3A_77 = tpu.memref_slice %arg4[%dma_start3A_62, %dma_start3A_75, %dma_start3A_76] : memref<2x250x256xf32, #tpu.memory_space<vmem>> -> memref<1x249x256xf32, #tpu.memory_space<vmem>>
    %dma_start3A_78 = tpu.memref_squeeze %dma_start3A_77 : memref<1x249x256xf32, #tpu.memory_space<vmem>> -> memref<249x256xf32, #tpu.memory_space<vmem>>
    tpu.enqueue_dma source(%dma_start3A_78 : memref<249x256xf32, #tpu.memory_space<vmem>>) target(%dma_start3A_74 : memref<249x256xf32, #tpu.memory_space<hbm>>) target_semaphore(%arg6 : memref<!tpu.dma_semaphore, #tpu.memory_space<semaphore_mem>>)
    %dma_start3A_79 = arith.constant 0 : i32
    %dma_start3A_80 = arith.constant 1 : i32
    %dma_start3A_81 = arith.constant 0 : i32
    %dma_start3A_82 = tpu.memref_slice %arg4[%dma_start3A_79, %dma_start3A_80, %dma_start3A_81] : memref<2x250x256xf32, #tpu.memory_space<vmem>> -> memref<1x249x256xf32, #tpu.memory_space<vmem>>
    %dma_start3A_83 = tpu.memref_squeeze %dma_start3A_82 : memref<1x249x256xf32, #tpu.memory_space<vmem>> -> memref<249x256xf32, #tpu.memory_space<vmem>>
    %dma_start3A_84 = arith.constant 0 : i32
    %dma_start3A_85 = arith.constant 256 : i32
    %dma_start3A_86 = tpu.memref_slice %arg3[%add3A_45, %dma_start3A_84, %dma_start3A_85] : memref<64x249x512xf32, #tpu.memory_space<hbm>> -> memref<1x249x256xf32, #tpu.memory_space<hbm>>
    %dma_start3A_87 = tpu.memref_squeeze %dma_start3A_86 : memref<1x249x256xf32, #tpu.memory_space<hbm>> -> memref<249x256xf32, #tpu.memory_space<hbm>>
    %dma_start3A_88 = arith.constant 0 : i32
    %dma_start3A_89 = arith.constant 256 : i32
    %dma_start3A_90 = tpu.memref_slice %arg3[%add3A_45, %dma_start3A_88, %dma_start3A_89] : memref<64x249x512xf32, #tpu.memory_space<hbm>> -> memref<1x249x256xf32, #tpu.memory_space<hbm>>
    %dma_start3A_91 = tpu.memref_squeeze %dma_start3A_90 : memref<1x249x256xf32, #tpu.memory_space<hbm>> -> memref<249x256xf32, #tpu.memory_space<hbm>>
    %dma_start3A_92 = arith.constant 1 : i32
    %dma_start3A_93 = arith.constant 0 : i32
    %dma_start3A_94 = tpu.memref_slice %arg4[%dma_start3A_79, %dma_start3A_92, %dma_start3A_93] : memref<2x250x256xf32, #tpu.memory_space<vmem>> -> memref<1x249x256xf32, #tpu.memory_space<vmem>>
    %dma_start3A_95 = tpu.memref_squeeze %dma_start3A_94 : memref<1x249x256xf32, #tpu.memory_space<vmem>> -> memref<249x256xf32, #tpu.memory_space<vmem>>
    tpu.enqueue_dma source(%dma_start3A_95 : memref<249x256xf32, #tpu.memory_space<vmem>>) target(%dma_start3A_91 : memref<249x256xf32, #tpu.memory_space<hbm>>) target_semaphore(%arg6 : memref<!tpu.dma_semaphore, #tpu.memory_space<semaphore_mem>>)
    %mul3A_96 = arith.constant 2 : i32
    %mul3A_97 = arith.muli %add3A, %mul3A_96 : i32
    %add3A_98 = arith.constant 1 : i32
    %add3A_99 = arith.addi %mul3A_97, %add3A_98 : i32
    %dma_wait3A_100 = arith.constant 1 : i32
    %dma_wait3A_101 = arith.constant 0 : i32
    %dma_wait3A_102 = arith.constant 0 : i32
    %dma_wait3A_103 = tpu.memref_slice %arg4[%dma_wait3A_100, %dma_wait3A_101, %dma_wait3A_102] : memref<2x250x256xf32, #tpu.memory_space<vmem>> -> memref<1x250x256xf32, #tpu.memory_space<vmem>>
    %dma_wait3A_104 = tpu.memref_squeeze %dma_wait3A_103 : memref<1x250x256xf32, #tpu.memory_space<vmem>> -> memref<250x256xf32, #tpu.memory_space<vmem>>
    %dma_wait3A_105 = arith.constant 0 : i32
    %dma_wait3A_106 = arith.constant 0 : i32
    %dma_wait3A_107 = tpu.memref_slice %arg2[%add3A_24, %dma_wait3A_105, %dma_wait3A_106] : memref<64x250x256xf32, #tpu.memory_space<hbm>> -> memref<1x250x256xf32, #tpu.memory_space<hbm>>
    %dma_wait3A_108 = tpu.memref_squeeze %dma_wait3A_107 : memref<1x250x256xf32, #tpu.memory_space<hbm>> -> memref<250x256xf32, #tpu.memory_space<hbm>>
    %dma_wait3A_109 = arith.constant 0 : i32
    %dma_wait3A_110 = arith.constant 0 : i32
    %dma_wait3A_111 = tpu.memref_slice %arg4[%dma_wait3A_100, %dma_wait3A_109, %dma_wait3A_110] : memref<2x250x256xf32, #tpu.memory_space<vmem>> -> memref<1x250x256xf32, #tpu.memory_space<vmem>>
    %dma_wait3A_112 = tpu.memref_squeeze %dma_wait3A_111 : memref<1x250x256xf32, #tpu.memory_space<vmem>> -> memref<250x256xf32, #tpu.memory_space<vmem>>
    %dma_wait3A_113 = arith.constant 0 : i32
    %dma_wait3A_114 = arith.constant 0 : i32
    %dma_wait3A_115 = tpu.memref_slice %arg2[%add3A_24, %dma_wait3A_113, %dma_wait3A_114] : memref<64x250x256xf32, #tpu.memory_space<hbm>> -> memref<1x250x256xf32, #tpu.memory_space<hbm>>
    %dma_wait3A_116 = tpu.memref_squeeze %dma_wait3A_115 : memref<1x250x256xf32, #tpu.memory_space<hbm>> -> memref<250x256xf32, #tpu.memory_space<hbm>>
    tpu.wait_dma2 semaphore(%arg5 : memref<!tpu.dma_semaphore, #tpu.memory_space<semaphore_mem>>) src(%dma_wait3A_116 : memref<250x256xf32, #tpu.memory_space<hbm>>) dst(%dma_wait3A_112 : memref<250x256xf32, #tpu.memory_space<vmem>>)
    %dma_start3A_117 = arith.constant 1 : i32
    %dma_start3A_118 = arith.constant 0 : i32
    %dma_start3A_119 = arith.constant 0 : i32
    %dma_start3A_120 = tpu.memref_slice %arg4[%dma_start3A_117, %dma_start3A_118, %dma_start3A_119] : memref<2x250x256xf32, #tpu.memory_space<vmem>> -> memref<1x249x256xf32, #tpu.memory_space<vmem>>
    %dma_start3A_121 = tpu.memref_squeeze %dma_start3A_120 : memref<1x249x256xf32, #tpu.memory_space<vmem>> -> memref<249x256xf32, #tpu.memory_space<vmem>>
    %dma_start3A_122 = arith.constant 0 : i32
    %dma_start3A_123 = arith.constant 0 : i32
    %dma_start3A_124 = tpu.memref_slice %arg3[%add3A_99, %dma_start3A_122, %dma_start3A_123] : memref<64x249x512xf32, #tpu.memory_space<hbm>> -> memref<1x249x256xf32, #tpu.memory_space<hbm>>
    %dma_start3A_125 = tpu.memref_squeeze %dma_start3A_124 : memref<1x249x256xf32, #tpu.memory_space<hbm>> -> memref<249x256xf32, #tpu.memory_space<hbm>>
    %dma_start3A_126 = arith.constant 0 : i32
    %dma_start3A_127 = arith.constant 0 : i32
    %dma_start3A_128 = tpu.memref_slice %arg3[%add3A_99, %dma_start3A_126, %dma_start3A_127] : memref<64x249x512xf32, #tpu.memory_space<hbm>> -> memref<1x249x256xf32, #tpu.memory_space<hbm>>
    %dma_start3A_129 = tpu.memref_squeeze %dma_start3A_128 : memref<1x249x256xf32, #tpu.memory_space<hbm>> -> memref<249x256xf32, #tpu.memory_space<hbm>>
    %dma_start3A_130 = arith.constant 0 : i32
    %dma_start3A_131 = arith.constant 0 : i32
    %dma_start3A_132 = tpu.memref_slice %arg4[%dma_start3A_117, %dma_start3A_130, %dma_start3A_131] : memref<2x250x256xf32, #tpu.memory_space<vmem>> -> memref<1x249x256xf32, #tpu.memory_space<vmem>>
    %dma_start3A_133 = tpu.memref_squeeze %dma_start3A_132 : memref<1x249x256xf32, #tpu.memory_space<vmem>> -> memref<249x256xf32, #tpu.memory_space<vmem>>
    tpu.enqueue_dma source(%dma_start3A_133 : memref<249x256xf32, #tpu.memory_space<vmem>>) target(%dma_start3A_129 : memref<249x256xf32, #tpu.memory_space<hbm>>) target_semaphore(%arg6 : memref<!tpu.dma_semaphore, #tpu.memory_space<semaphore_mem>>)
    %dma_start3A_134 = arith.constant 1 : i32
    %dma_start3A_135 = arith.constant 1 : i32
    %dma_start3A_136 = arith.constant 0 : i32
    %dma_start3A_137 = tpu.memref_slice %arg4[%dma_start3A_134, %dma_start3A_135, %dma_start3A_136] : memref<2x250x256xf32, #tpu.memory_space<vmem>> -> memref<1x249x256xf32, #tpu.memory_space<vmem>>
    %dma_start3A_138 = tpu.memref_squeeze %dma_start3A_137 : memref<1x249x256xf32, #tpu.memory_space<vmem>> -> memref<249x256xf32, #tpu.memory_space<vmem>>
    %dma_start3A_139 = arith.constant 0 : i32
    %dma_start3A_140 = arith.constant 256 : i32
    %dma_start3A_141 = tpu.memref_slice %arg3[%add3A_99, %dma_start3A_139, %dma_start3A_140] : memref<64x249x512xf32, #tpu.memory_space<hbm>> -> memref<1x249x256xf32, #tpu.memory_space<hbm>>
    %dma_start3A_142 = tpu.memref_squeeze %dma_start3A_141 : memref<1x249x256xf32, #tpu.memory_space<hbm>> -> memref<249x256xf32, #tpu.memory_space<hbm>>
    %dma_start3A_143 = arith.constant 0 : i32
    %dma_start3A_144 = arith.constant 256 : i32
    %dma_start3A_145 = tpu.memref_slice %arg3[%add3A_99, %dma_start3A_143, %dma_start3A_144] : memref<64x249x512xf32, #tpu.memory_space<hbm>> -> memref<1x249x256xf32, #tpu.memory_space<hbm>>
    %dma_start3A_146 = tpu.memref_squeeze %dma_start3A_145 : memref<1x249x256xf32, #tpu.memory_space<hbm>> -> memref<249x256xf32, #tpu.memory_space<hbm>>
    %dma_start3A_147 = arith.constant 1 : i32
    %dma_start3A_148 = arith.constant 0 : i32
    %dma_start3A_149 = tpu.memref_slice %arg4[%dma_start3A_134, %dma_start3A_147, %dma_start3A_148] : memref<2x250x256xf32, #tpu.memory_space<vmem>> -> memref<1x249x256xf32, #tpu.memory_space<vmem>>
    %dma_start3A_150 = tpu.memref_squeeze %dma_start3A_149 : memref<1x249x256xf32, #tpu.memory_space<vmem>> -> memref<249x256xf32, #tpu.memory_space<vmem>>
    tpu.enqueue_dma source(%dma_start3A_150 : memref<249x256xf32, #tpu.memory_space<vmem>>) target(%dma_start3A_146 : memref<249x256xf32, #tpu.memory_space<hbm>>) target_semaphore(%arg6 : memref<!tpu.dma_semaphore, #tpu.memory_space<semaphore_mem>>)
    %dma_wait3A_151 = arith.constant 0 : i32
    %dma_wait3A_152 = arith.constant 0 : i32
    %dma_wait3A_153 = arith.constant 0 : i32
    %dma_wait3A_154 = tpu.memref_slice %arg4[%dma_wait3A_151, %dma_wait3A_152, %dma_wait3A_153] : memref<2x250x256xf32, #tpu.memory_space<vmem>> -> memref<1x249x256xf32, #tpu.memory_space<vmem>>
    %dma_wait3A_155 = tpu.memref_squeeze %dma_wait3A_154 : memref<1x249x256xf32, #tpu.memory_space<vmem>> -> memref<249x256xf32, #tpu.memory_space<vmem>>
    %dma_wait3A_156 = arith.constant 0 : i32
    %dma_wait3A_157 = arith.constant 0 : i32
    %dma_wait3A_158 = tpu.memref_slice %arg3[%add3A_45, %dma_wait3A_156, %dma_wait3A_157] : memref<64x249x512xf32, #tpu.memory_space<hbm>> -> memref<1x249x256xf32, #tpu.memory_space<hbm>>
    %dma_wait3A_159 = tpu.memref_squeeze %dma_wait3A_158 : memref<1x249x256xf32, #tpu.memory_space<hbm>> -> memref<249x256xf32, #tpu.memory_space<hbm>>
    %dma_wait3A_160 = arith.constant 0 : i32
    %dma_wait3A_161 = arith.constant 0 : i32
    %dma_wait3A_162 = tpu.memref_slice %arg3[%add3A_45, %dma_wait3A_160, %dma_wait3A_161] : memref<64x249x512xf32, #tpu.memory_space<hbm>> -> memref<1x249x256xf32, #tpu.memory_space<hbm>>
    %dma_wait3A_163 = tpu.memref_squeeze %dma_wait3A_162 : memref<1x249x256xf32, #tpu.memory_space<hbm>> -> memref<249x256xf32, #tpu.memory_space<hbm>>
    %dma_wait3A_164 = arith.constant 0 : i32
    %dma_wait3A_165 = arith.constant 0 : i32
    %dma_wait3A_166 = tpu.memref_slice %arg4[%dma_wait3A_151, %dma_wait3A_164, %dma_wait3A_165] : memref<2x250x256xf32, #tpu.memory_space<vmem>> -> memref<1x249x256xf32, #tpu.memory_space<vmem>>
    %dma_wait3A_167 = tpu.memref_squeeze %dma_wait3A_166 : memref<1x249x256xf32, #tpu.memory_space<vmem>> -> memref<249x256xf32, #tpu.memory_space<vmem>>
    tpu.wait_dma2 semaphore(%arg6 : memref<!tpu.dma_semaphore, #tpu.memory_space<semaphore_mem>>) src(%dma_wait3A_167 : memref<249x256xf32, #tpu.memory_space<vmem>>) dst(%dma_wait3A_163 : memref<249x256xf32, #tpu.memory_space<hbm>>)
    %dma_wait3A_168 = arith.constant 0 : i32
    %dma_wait3A_169 = arith.constant 1 : i32
    %dma_wait3A_170 = arith.constant 0 : i32
    %dma_wait3A_171 = tpu.memref_slice %arg4[%dma_wait3A_168, %dma_wait3A_169, %dma_wait3A_170] : memref<2x250x256xf32, #tpu.memory_space<vmem>> -> memref<1x249x256xf32, #tpu.memory_space<vmem>>
    %dma_wait3A_172 = tpu.memref_squeeze %dma_wait3A_171 : memref<1x249x256xf32, #tpu.memory_space<vmem>> -> memref<249x256xf32, #tpu.memory_space<vmem>>
    %dma_wait3A_173 = arith.constant 0 : i32
    %dma_wait3A_174 = arith.constant 256 : i32
    %dma_wait3A_175 = tpu.memref_slice %arg3[%add3A_45, %dma_wait3A_173, %dma_wait3A_174] : memref<64x249x512xf32, #tpu.memory_space<hbm>> -> memref<1x249x256xf32, #tpu.memory_space<hbm>>
    %dma_wait3A_176 = tpu.memref_squeeze %dma_wait3A_175 : memref<1x249x256xf32, #tpu.memory_space<hbm>> -> memref<249x256xf32, #tpu.memory_space<hbm>>
    %dma_wait3A_177 = arith.constant 0 : i32
    %dma_wait3A_178 = arith.constant 256 : i32
    %dma_wait3A_179 = tpu.memref_slice %arg3[%add3A_45, %dma_wait3A_177, %dma_wait3A_178] : memref<64x249x512xf32, #tpu.memory_space<hbm>> -> memref<1x249x256xf32, #tpu.memory_space<hbm>>
    %dma_wait3A_180 = tpu.memref_squeeze %dma_wait3A_179 : memref<1x249x256xf32, #tpu.memory_space<hbm>> -> memref<249x256xf32, #tpu.memory_space<hbm>>
    %dma_wait3A_181 = arith.constant 1 : i32
    %dma_wait3A_182 = arith.constant 0 : i32
    %dma_wait3A_183 = tpu.memref_slice %arg4[%dma_wait3A_168, %dma_wait3A_181, %dma_wait3A_182] : memref<2x250x256xf32, #tpu.memory_space<vmem>> -> memref<1x249x256xf32, #tpu.memory_space<vmem>>
    %dma_wait3A_184 = tpu.memref_squeeze %dma_wait3A_183 : memref<1x249x256xf32, #tpu.memory_space<vmem>> -> memref<249x256xf32, #tpu.memory_space<vmem>>
    tpu.wait_dma2 semaphore(%arg6 : memref<!tpu.dma_semaphore, #tpu.memory_space<semaphore_mem>>) src(%dma_wait3A_184 : memref<249x256xf32, #tpu.memory_space<vmem>>) dst(%dma_wait3A_180 : memref<249x256xf32, #tpu.memory_space<hbm>>)
    %dma_wait3A_185 = arith.constant 1 : i32
    %dma_wait3A_186 = arith.constant 0 : i32
    %dma_wait3A_187 = arith.constant 0 : i32
    %dma_wait3A_188 = tpu.memref_slice %arg4[%dma_wait3A_185, %dma_wait3A_186, %dma_wait3A_187] : memref<2x250x256xf32, #tpu.memory_space<vmem>> -> memref<1x249x256xf32, #tpu.memory_space<vmem>>
    %dma_wait3A_189 = tpu.memref_squeeze %dma_wait3A_188 : memref<1x249x256xf32, #tpu.memory_space<vmem>> -> memref<249x256xf32, #tpu.memory_space<vmem>>
    %dma_wait3A_190 = arith.constant 0 : i32
    %dma_wait3A_191 = arith.constant 0 : i32
    %dma_wait3A_192 = tpu.memref_slice %arg3[%add3A_99, %dma_wait3A_190, %dma_wait3A_191] : memref<64x249x512xf32, #tpu.memory_space<hbm>> -> memref<1x249x256xf32, #tpu.memory_space<hbm>>
    %dma_wait3A_193 = tpu.memref_squeeze %dma_wait3A_192 : memref<1x249x256xf32, #tpu.memory_space<hbm>> -> memref<249x256xf32, #tpu.memory_space<hbm>>
    %dma_wait3A_194 = arith.constant 0 : i32
    %dma_wait3A_195 = arith.constant 0 : i32
    %dma_wait3A_196 = tpu.memref_slice %arg3[%add3A_99, %dma_wait3A_194, %dma_wait3A_195] : memref<64x249x512xf32, #tpu.memory_space<hbm>> -> memref<1x249x256xf32, #tpu.memory_space<hbm>>
    %dma_wait3A_197 = tpu.memref_squeeze %dma_wait3A_196 : memref<1x249x256xf32, #tpu.memory_space<hbm>> -> memref<249x256xf32, #tpu.memory_space<hbm>>
    %dma_wait3A_198 = arith.constant 0 : i32
    %dma_wait3A_199 = arith.constant 0 : i32
    %dma_wait3A_200 = tpu.memref_slice %arg4[%dma_wait3A_185, %dma_wait3A_198, %dma_wait3A_199] : memref<2x250x256xf32, #tpu.memory_space<vmem>> -> memref<1x249x256xf32, #tpu.memory_space<vmem>>
    %dma_wait3A_201 = tpu.memref_squeeze %dma_wait3A_200 : memref<1x249x256xf32, #tpu.memory_space<vmem>> -> memref<249x256xf32, #tpu.memory_space<vmem>>
    tpu.wait_dma2 semaphore(%arg6 : memref<!tpu.dma_semaphore, #tpu.memory_space<semaphore_mem>>) src(%dma_wait3A_201 : memref<249x256xf32, #tpu.memory_space<vmem>>) dst(%dma_wait3A_197 : memref<249x256xf32, #tpu.memory_space<hbm>>)
    %dma_wait3A_202 = arith.constant 1 : i32
    %dma_wait3A_203 = arith.constant 1 : i32
    %dma_wait3A_204 = arith.constant 0 : i32
    %dma_wait3A_205 = tpu.memref_slice %arg4[%dma_wait3A_202, %dma_wait3A_203, %dma_wait3A_204] : memref<2x250x256xf32, #tpu.memory_space<vmem>> -> memref<1x249x256xf32, #tpu.memory_space<vmem>>
    %dma_wait3A_206 = tpu.memref_squeeze %dma_wait3A_205 : memref<1x249x256xf32, #tpu.memory_space<vmem>> -> memref<249x256xf32, #tpu.memory_space<vmem>>
    %dma_wait3A_207 = arith.constant 0 : i32
    %dma_wait3A_208 = arith.constant 256 : i32
    %dma_wait3A_209 = tpu.memref_slice %arg3[%add3A_99, %dma_wait3A_207, %dma_wait3A_208] : memref<64x249x512xf32, #tpu.memory_space<hbm>> -> memref<1x249x256xf32, #tpu.memory_space<hbm>>
    %dma_wait3A_210 = tpu.memref_squeeze %dma_wait3A_209 : memref<1x249x256xf32, #tpu.memory_space<hbm>> -> memref<249x256xf32, #tpu.memory_space<hbm>>
    %dma_wait3A_211 = arith.constant 0 : i32
    %dma_wait3A_212 = arith.constant 256 : i32
    %dma_wait3A_213 = tpu.memref_slice %arg3[%add3A_99, %dma_wait3A_211, %dma_wait3A_212] : memref<64x249x512xf32, #tpu.memory_space<hbm>> -> memref<1x249x256xf32, #tpu.memory_space<hbm>>
    %dma_wait3A_214 = tpu.memref_squeeze %dma_wait3A_213 : memref<1x249x256xf32, #tpu.memory_space<hbm>> -> memref<249x256xf32, #tpu.memory_space<hbm>>
    %dma_wait3A_215 = arith.constant 1 : i32
    %dma_wait3A_216 = arith.constant 0 : i32
    %dma_wait3A_217 = tpu.memref_slice %arg4[%dma_wait3A_202, %dma_wait3A_215, %dma_wait3A_216] : memref<2x250x256xf32, #tpu.memory_space<vmem>> -> memref<1x249x256xf32, #tpu.memory_space<vmem>>
    %dma_wait3A_218 = tpu.memref_squeeze %dma_wait3A_217 : memref<1x249x256xf32, #tpu.memory_space<vmem>> -> memref<249x256xf32, #tpu.memory_space<vmem>>
    tpu.wait_dma2 semaphore(%arg6 : memref<!tpu.dma_semaphore, #tpu.memory_space<semaphore_mem>>) src(%dma_wait3A_218 : memref<249x256xf32, #tpu.memory_space<vmem>>) dst(%dma_wait3A_214 : memref<249x256xf32, #tpu.memory_space<hbm>>)
    return
  }
}

</mosaic_0001>

<sc_bundles>
// kernel: kernel.3.cloned.1.call-start
scs
__scs_entry_jumppad:
0x0: {  	(pc) =	sbr.rel $0x88, $3  }
0x1: {  	(tag) =	ssettag $0x0;
	lr =	simm.s32 $0x1  }
0x2: {  	[smem:$0x3FA0] =	sst lr;
	_ =	strace $0xD0000000  }
0x3: {  	_ = 	snop  }
0x4: {  	_ = 	snop  }
0x5: {  	_ = 	snop  }
0x6: {  	_ = 	snop  }
0x7: {  	_ = 	snop  }
__scs_overlays_trampoline_lowered:
0x8: {  	[smem:$0x3FAF] =	sst s0  }
0x9: {  	[smem:$0x3FB0] =	sst s1  }
0xa: {  	[smem:$0x3FB1] =	sst s2  }
0xb: {  	[smem:$0x3FB2] =	sst s3  }
0xc: {  	[smem:$0x3FB3] =	sst s4  }
0xd: {  	[smem:$0x3FB4] =	sst s5  }
0xe: {  	[smem:$0x3FB5] =	sst s6  }
0xf: {  	[smem:$0x3FB6] =	sst s7  }
0x10: {  	[smem:$0x3FB7] =	sst s8  }
0x11: {  	[smem:$0x3FB8] =	sst s9;
	s0 =	simm.s32 @!p0 $0x0  }
0x12: {  	s1 =	sld [smem:$0x3F9E];
	s0 =	simm.s32 @p0 $0x1  }
0x13: {  	[smem:$0x3FB9] =	sst s0;
	s0 =	simm.s32 @!p1 $0x0  }
0x14: {  	s2 =	sld [smem:$0x3F9D];
	s0 =	simm.s32 @p1 $0x1  }
0x15: {  	[smem:$0x3FBA] =	sst s0;
	s0 =	simm.s32 @!p2 $0x0  }
0x16: {  	s3 =	sld [smem:$0x3FDB];
	s0 =	simm.s32 @p2 $0x1  }
0x17: {  	s4 =	simm.s32 $0x1BF5;
	[smem:$0x3FBC] =	sst s0  }
0x18: {  	s0 =	sld [smem:$0x3F9F];
	_ =	swait.ge [sflag:s4], $0x0  }
0x19: {  	s7 =	sld [smem:$0x3FA0]  }
0x1a: {  	s8 =	sadd.s32 $0xFFFFE003, lr  }
0x1b: {  	s9 =	sadd.s32 $0xFFFFFEF7, lr;
	s5 =	simm.s32 $0xFFFFFFFF;
	p2 =	slt.u32 s8, $0xFFFFF086  }
0x1c: {  	p1 =	slt.u32 s9, $0xF7A;
	s5 =	simm.s32 @!p2 $0x0  }
0x1d: {  	s5 =	simm.s32 @p1 $0x1;
	p0 =	seq.s32 s7, s2  }
0x1e: {  	s7 =	smul.u32 @!p0 $0xF7A, s2;
	p2 =	seq.s32 @!p0 s5, $0x0  }
0x1f: {  	s9 =	smul.u32 $0xF7A, s1;
	s8 =	simm.s32 @!p0 $0x1BF5;
	p2 =	por !p2, p0  }
0x20: {  	[sflag:s8] =	ssyncset.s32 @!p0 $0xFFFFF086;
	s6 =	sadd.s32 @!p0 s3, s7;
	s7 =	simm.s32 @!p0 $0x108  }
0x21: {  	s3 =	sadd.s32 s3, s9;
	s6 =	sadd.s32 @!p0 $0x88, s6;
	s7 =	simm.s32 @p2 $0x1082  }
0x22: {  	[simem:s7], [sflag:s8] =	dma.local @!p0 [hbm:s6], $0xF7A  }
0x23: {  	s9 =	sor.u32 $0xD0000000, s2;
	s6 =	simm.s32 $0x108;
	_ =	swait.ge @!p0 [sflag:s8], $0x0  }
0x24: {  	s3 =	sadd.s32 $0x88, s3;
	s6 =	simm.s32 @!p1 $0x1082;
	[sflag:s4] =	ssyncset.s32 $0xFFFFF086  }
0x25: {  	[simem:s6], [sflag:s4] =	dma.local [hbm:s3], $0xF7A  }
0x26: {  	[smem:$0x3FA0] =	sst s1;
	(tag) =	ssettag s2;
	_ =	strace s9  }
0x27: {  	s1 =	sld [smem:$0x3FB0]  }
0x28: {  	s2 =	sld [smem:$0x3FB1]  }
0x29: {  	s4 =	sld [smem:$0x3FB3]  }
0x2a: {  	p0 =	seq.s32 s5, $0x0;
	s5 =	sld [smem:$0x3FB4]  }
0x2b: {  	s6 =	sld [smem:$0x3FB5]  }
0x2c: {  	s7 =	sld [smem:$0x3FB6]  }
0x2d: {  	s3 =	simm.s32 $0x108;
	s8 =	sld [smem:$0x3FB7]  }
0x2e: {  	s3 =	simm.s32 @!p0 $0x1082;
	s9 =	sld [smem:$0x3FB8]  }
0x2f: {  	lr =	sadd.s32 s0, s3;
	s0 =	sld [smem:$0x3FAF]  }
0x30: {  	s3 =	sld [smem:$0x3FB2]  }
0x31: {  	[smem:$0x3FBB] =	sst s10  }
0x32: {  	s10 =	sld [smem:$0x3FB9];
	_ =	sdelay $0x3  }
0x33: {  	p0 =	seq.s32 s10, $0x1;
	s10 =	sld [smem:$0x3FBB];
	_ =	sdelay $0x3  }
0x34: {  	[smem:$0x3FBB] =	sst s10  }
0x35: {  	s10 =	sld [smem:$0x3FBA];
	_ =	sdelay $0x3  }
0x36: {  	p1 =	seq.s32 s10, $0x1;
	s10 =	sld [smem:$0x3FBB];
	_ =	sdelay $0x3  }
0x37: {  	[smem:$0x3FBB] =	sst s10  }
0x38: {  	s10 =	sld [smem:$0x3FBC]  }
0x39: {  	_ = 	snop;
	(pc) =	sbr.ind lr, $3  }
0x3a: {  	_ = 	snop  }
0x3b: {  	_ = 	snop  }
0x3c: {  	p2 =	seq.s32 s10, $0x1;
	s10 =	sld [smem:$0x3FBB]  }
0x3d: {  	_ =	shalt  }
0x3e: {  	_ =	shalt  }
0x3f: {  	_ =	shalt  }
0x40: {  	_ =	shalt  }
0x41: {  	_ =	shalt  }
0x42: {  	_ =	shalt  }
0x43: {  	_ =	shalt  }
0x44: {  	_ =	shalt  }
0x45: {  	_ =	shalt  }
0x46: {  	_ =	shalt  }
0x47: {  	_ =	shalt  }
0x48: {  	_ =	shalt  }
0x49: {  	_ =	shalt  }
0x4a: {  	_ =	shalt  }
0x4b: {  	_ =	shalt  }
0x4c: {  	_ =	shalt  }
0x4d: {  	_ =	shalt  }
0x4e: {  	_ =	shalt  }
0x4f: {  	_ =	shalt  }
0x50: {  	_ =	shalt  }
0x51: {  	_ =	shalt  }
0x52: {  	_ =	shalt  }
0x53: {  	_ =	shalt  }
0x54: {  	_ =	shalt  }
0x55: {  	_ =	shalt  }
0x56: {  	_ =	shalt  }
0x57: {  	_ =	shalt  }
0x58: {  	_ =	shalt  }
0x59: {  	_ =	shalt  }
0x5a: {  	_ =	shalt  }
0x5b: {  	_ =	shalt  }
0x5c: {  	_ =	shalt  }
0x5d: {  	_ =	shalt  }
0x5e: {  	_ =	shalt  }
0x5f: {  	_ =	shalt  }
0x60: {  	_ =	shalt  }
0x61: {  	_ =	shalt  }
0x62: {  	_ =	shalt  }
0x63: {  	_ =	shalt  }
0x64: {  	_ =	shalt  }
0x65: {  	_ =	shalt  }
0x66: {  	_ =	shalt  }
0x67: {  	_ =	shalt  }
0x68: {  	_ =	shalt  }
0x69: {  	_ =	shalt  }
0x6a: {  	_ =	shalt  }
0x6b: {  	_ =	shalt  }
0x6c: {  	_ =	shalt  }
0x6d: {  	_ =	shalt  }
0x6e: {  	_ =	shalt  }
0x6f: {  	_ =	shalt  }
0x70: {  	_ =	shalt  }
0x71: {  	_ =	shalt  }
0x72: {  	_ =	shalt  }
0x73: {  	_ =	shalt  }
0x74: {  	_ =	shalt  }
0x75: {  	_ =	shalt  }
0x76: {  	_ =	shalt  }
0x77: {  	_ =	shalt  }
0x78: {  	_ =	shalt  }
0x79: {  	_ =	shalt  }
0x7a: {  	_ =	shalt  }
0x7b: {  	_ =	shalt  }
0x7c: {  	_ =	shalt  }
0x7d: {  	_ =	shalt  }
0x7e: {  	_ =	shalt  }
0x7f: {  	_ =	shalt  }
0x80: {  	_ =	shalt  }
0x81: {  	_ =	shalt  }
0x82: {  	_ =	shalt  }
0x83: {  	_ =	shalt  }
0x84: {  	_ =	shalt  }
0x85: {  	_ =	shalt  }
0x86: {  	_ =	shalt  }
0x87: {  	_ =	shalt  }
.Lfunc_end0:
.L_simem_size_0:
called_computation_lowered:
.L_overlay_start_0:
0x88: {  	s2 =	sld [smem:$0x3FD9]  }
0x89: {  	s3 =	sld [smem:$0x3FFE];
	_ =	sdelay $0x1  }
0x8a: {  	s1 =	srdreg.scid  }
0x8b: {  	s0 =	sand.u32 $0x1, s1  }
0x8c: {  	s18 =	sshll.u32 s0, $0xA;
	s2 =	sadd.s32 s3, s2  }
0x8d: {  	s2 =	sadd.s32 s2, s18  }
0x8e: {  	[smem:$0x3FC7] =	sst s2  }
0x8f: {  	_ = 	snop  }
0x90: {  	s2 =	sld [smem:$0x3FC9]  }
0x91: {  	s19 =	sld [smem:$0x3FD0];
	(tm) =	ssettm $0x1  }
0x92: {  	s4 =	sld [smem:$0x3FFB];
	_ =	sdelay $0x3  }
0x93: {  	_ =	strace s4  }
0x94: {  	s4 =	sld [smem:$0x3FFC];
	_ =	sdelay $0x3  }
0x95: {  	_ =	strace s4  }
0x96: {  	s4 =	sld [smem:$0x3FFD];
	_ =	sdelay $0x3  }
0x97: {  	_ =	strace s4  }
0x98: {  	_ =	strace $0x8FFFFFFF  }
0x99: {  	s20 =	sld [smem:$0x3FDB];
	_ =	sdelay $0x1  }
0x9a: {  	s5 =	simm.s32 $_scs_section_size  }
0x9b: {  	s6 =	simm.s32 $_size__tile_overlayer_lowered;
	s7 =	simm.s32 $_tile_overlayer_lowered  }
0x9c: {  	s23 =	simm.s32 $0x1BFF;
	s22 =	sshll.u32 s7, $0x1;
	s4 =	sadd.s32 s5, s20  }
0x9d: {  	s8 =	simm.s32 $0x0;
	s21 =	sshll.u32 s6, $0x1;
	s6 =	sadd.s32 s22, s4  }
0x9e: {  	[timem:s8], [sflag:s23] =	dma.local [hbm:s6], s21  }
0x9f: {  	_ =	swait.ge [sflag:s23], s21  }
0xa0: {  	s5 =	ssub.s32 $0x0, s21;
	[sflag:s23] =	ssyncset.done $0x0  }
0xa1: {  	[sflag:s23] =	ssyncadd.s32 s5;
	_ =	sdelay $0x1  }
0xa2: {  	s24 =	simm.s32 $0x1B8B  }
0xa3: {  	_ =	swait.ge [sflag:s24], $0x1  }
0xa4: {  	[sflag:s24] =	ssyncset.done $0x0  }
0xa5: {  	s25 =	simm.s32 $0x1B8E;
	[sflag:s24] =	ssyncadd.s32 $0xFFFFFFFF  }
0xa6: {  	s26 =	simm.s32 $execute0_lowered;
	[smem:$0x3FD2] =	sst s25  }
0xa7: {  	s5 =	sshll.u32 s26, $0x1;
	_ =	strace $0x80000046;
	[dreg:$0x1] =	wrdreg $0xFFFFFFFF  }
0xa8: {  	s28 =	simm.s32 $_size_execute0_lowered;
	s4 =	sadd.s32 s4, s5;
	[dreg:$0x0] =	wrdreg $0x0  }
0xa9: {  	s5 =	sshll.u32 s28, $0x1;
	[dreg:$0x2] =	wrdreg s4  }
0xaa: {  	[dreg:$0x3] =	wrdreg s5  }
0xab: {  	[dreg:$0x4] =	wrdreg $0xC0  }
0xac: {  	_ =	task [dreg:s8], $0x5FFFF  }
0xad: {  	[dreg:$0x1] =	wrdreg $0xFFFFFFFF  }
0xae: {  	[dreg:$0x0] =	wrdreg $0x60  }
0xaf: {  	[dreg:$0x2] =	wrdreg s2  }
0xb0: {  	[dreg:$0x3] =	wrdreg s19  }
0xb1: {  	[dreg:$0x4] =	wrdreg $0x9  }
0xb2: {  	_ =	task.clear_ibuf [dreg:s8], $0x5FFFF;
	_ =	strace $0x90000046  }
0xb3: {  	s29 =	simm.s32 $0x9;
	_ =	strace $0x80000048  }
0xb4: {  	_ =	swait.ge [sflag:s29], $0x1  }
0xb5: {  	[sflag:s29] =	ssyncadd.s32 $0xFFFFFFFF  }
0xb6: {  	_ =	strace $0x90000048  }
0xb7: {  	_ =	sfence  }
0xb8: {  	s30 =	sld [smem:$0x0];
	_ =	sdelay $0x2  }
0xb9: {  	s31 =	sshll.u32 s1, $0xD;
	s1 =	sshrl.u32 s1, $0x2  }
0xba: {  	s3 =	sand.u32 $0x4000, s31;
	s1 =	sadd.s32 s1, s30  }
0xbb: {  	s0 =	sor.u32 s3, s0;
	s1 =	sshll.u32 s1, $0x11  }
0xbc: {  	s0 =	sor.u32 s1, s0  }
0xbd: {  	s0 =	sadd.s32 $0x8F2B, s0  }
0xbe: {  	[sflag:s0] =	ssyncadd.remote.s32 $0x1  }
0xbf: {  	_ =	sfence.sel $0xFFFF  }
0xc0: {  	[dreg:$0x0] =	wrdreg $0xFFFFFFFF;
	(pc) =	sbr.abs _section_cstart, $3  }
0xc1: {  	[dreg:$0x1] =	wrdreg $0xFFFFFFFF  }
0xc2: {  	_ =	task.clear_ibuf [dreg:s8], $0x2FFFF;
	_ =	strace $0x9FFFFFFF  }
0xc3: {  	(tm) =	ssettm $0x7FFFFFFF  }
tec
execute0_lowered:
.L_overlay_start_1:
0x0: {  	(tag) =	ssettag $0x1  }
0x1: {  	s1 =	srdreg.scid  }
0x2: {  	s0 =	stileid.u32;
	s15 =	sand.u32 $0x1, s1  }
0x3: {  	s4 =	rddreg [dreg:$0x0];
	s31 =	sshll.u32 s0, $0x2;
	s2 =	sshll.u32 s15, $0x1  }
0x4: {  	s11 =	rddreg [dreg:$0x1];
	s5 =	sor.u32 s2, s31  }
0x5: {  	s1 =	rddreg [dreg:$0x2];
	s2 =	simm.s32 $0x0;
	s3 =	smul.u32 $0x1F40, s5  }
0x6: {  	s12 =	sor.u32 $0x1, s5;
	[smem:$0x7FF] =	sst s2;
	s10 =	smul.u32 $0x3E40, s5  }
0x7: {  	s6 =	smul.u32 $0x1F40, s12;
	_ =	strace $0x80000047;
	s3 =	sadd.s32 s4, s3  }
0x8: {  	[tilespmem:s2], [sflag:$0x1] =	stream.linear.gather [hbm4b:s3+s2], $0xFA00, $0x38;
	[tilespmem:$0x1F400] =	vst v63  }
0x9: {  	s5 =	simm.s32 $0xFA00;
	s4 =	sadd.s32 s4, s6;
	s6 =	simm.s32 $0x1  }
0xa: {  	[tilespmem:s5], [sflag:$0x1] =	stream.linear.gather [hbm4b:s4+s2], $0xFA00, $0x38;
	[tilespmem:$0x1F400] =	vst v63  }
0xb: {  	_ =	swait.ge [sflag:s6], $0xFA00  }
0xc: {  	s8 =	simm.s32 $0x100;
	s9 =	simm.s32 $0x200;
	[sflag:s6] =	ssyncset.done $0x0  }
0xd: {  	s13 =	sadd.s32 $0x20, s11;
	s7 =	sadd.s32 s11, s10;
	[sflag:s6] =	ssyncadd.s32 $0xFFFF0600  }
0xe: {  	[hbm4b:s7+s8] =	stream.strided.scatter [tilespmem:s2], [sflag:$0x2], $0xF900, s9, s8, $0x38;
	[tilespmem:$0x1F400] =	vst v63  }
0xf: {  	s10 =	sadd.s32 s10, s13  }
0x10: {  	[hbm4b:s10+s8] =	stream.strided.scatter [tilespmem:s8], [sflag:$0x2], $0xF900, s9, s8, $0x38;
	[tilespmem:$0x1F400] =	vst v63  }
0x11: {  	s12 =	smul.u32 $0x3E40, s12;
	_ =	swait.ge [sflag:s6], $0xFA00  }
0x12: {  	[sflag:s6] =	ssyncset.done $0x0  }
0x13: {  	s11 =	sadd.s32 s11, s12;
	[sflag:s6] =	ssyncadd.s32 $0xFFFF0600  }
0x14: {  	[hbm4b:s11+s8] =	stream.strided.scatter [tilespmem:s5], [sflag:$0x2], $0xF900, s9, s8, $0x38;
	[tilespmem:$0x1F400] =	vst v63  }
0x15: {  	s14 =	simm.s32 $0xFB00;
	s12 =	sadd.s32 s12, s13;
	s13 =	simm.s32 $0x2  }
0x16: {  	[hbm4b:s12+s8] =	stream.strided.scatter [tilespmem:s14], [sflag:$0x2], $0xF900, s9, s8, $0x38;
	[tilespmem:$0x1F400] =	vst v63  }
0x17: {  	_ =	swait.ge [sflag:s13], $0xF900  }
0x18: {  	s15 =	ssub.s32 $0x2, s15;
	[sflag:s13] =	ssyncset.done $0x0  }
0x19: {  	s16 =	sshrl.u32 s15, $0x1;
	[sflag:s13] =	ssyncadd.s32 $0xFFFF0700  }
0x1a: {  	s15 =	ssub.s32 s15, s16;
	_ =	swait.ge [sflag:s13], $0xF900  }
0x1b: {  	s15 =	smax.u32 s15, $0x1;
	[sflag:s13] =	ssyncset.done $0x0  }
0x1c: {  	p0 =	sne.s32 s15, $0x1;
	[sflag:s13] =	ssyncadd.s32 $0xFFFF0700  }
.Ltmp0:
0x1d: {  	_ =	swait.ge [sflag:s13], $0xF900;
	(pc) =	sbr.rel @!p0 .LBB2_2-.Ltmp0, $4  }
0x1e: {  	[sflag:s13] =	ssyncset.done $0x0  }
0x1f: {  	[sflag:s13] =	ssyncadd.s32 $0xFFFF0700  }
0x20: {  	_ =	swait.ge [sflag:s13], $0xF900  }
0x21: {  	s15 =	sadd.s32 $0xFFFFFFFF, s15;
	[sflag:s13] =	ssyncset.done $0x0  }
.LBB2_1:
0x22: {  	p0 =	sne.s32 s15, $0x1;
	s15 =	sadd.s32 $0xFFFFFFFF, s15;
	[sflag:s13] =	ssyncadd.s32 $0xFFFF0700  }
0x23: {  	[tilespmem:s2], [sflag:$0x1] =	stream.linear.gather [hbm4b:s3+s2], $0xFA00, $0x38;
	[tilespmem:$0x1F400] =	vst v63  }
0x24: {  	_ = 	snop  }
0x25: {  	[tilespmem:s5], [sflag:$0x1] =	stream.linear.gather [hbm4b:s4+s2], $0xFA00, $0x38;
	[tilespmem:$0x1F400] =	vst v63  }
0x26: {  	_ =	swait.ge [sflag:s6], $0xFA00  }
0x27: {  	[sflag:s6] =	ssyncset.done $0x0  }
0x28: {  	[sflag:s6] =	ssyncadd.s32 $0xFFFF0600  }
0x29: {  	[hbm4b:s7+s8] =	stream.strided.scatter [tilespmem:s2], [sflag:$0x2], $0xF900, s9, s8, $0x38;
	[tilespmem:$0x1F400] =	vst v63  }
0x2a: {  	_ = 	snop  }
0x2b: {  	[hbm4b:s10+s8] =	stream.strided.scatter [tilespmem:s8], [sflag:$0x2], $0xF900, s9, s8, $0x38;
	[tilespmem:$0x1F400] =	vst v63  }
0x2c: {  	_ =	swait.ge [sflag:s6], $0xFA00  }
0x2d: {  	[sflag:s6] =	ssyncset.done $0x0  }
0x2e: {  	[sflag:s6] =	ssyncadd.s32 $0xFFFF0600  }
0x2f: {  	[hbm4b:s11+s8] =	stream.strided.scatter [tilespmem:s5], [sflag:$0x2], $0xF900, s9, s8, $0x38;
	[tilespmem:$0x1F400] =	vst v63  }
0x30: {  	_ = 	snop  }
0x31: {  	[hbm4b:s12+s8] =	stream.strided.scatter [tilespmem:s14], [sflag:$0x2], $0xF900, s9, s8, $0x38;
	[tilespmem:$0x1F400] =	vst v63  }
0x32: {  	_ =	swait.ge [sflag:s13], $0xF900  }
0x33: {  	[sflag:s13] =	ssyncset.done $0x0  }
0x34: {  	[sflag:s13] =	ssyncadd.s32 $0xFFFF0700  }
0x35: {  	_ =	swait.ge [sflag:s13], $0xF900  }
0x36: {  	[sflag:s13] =	ssyncset.done $0x0  }
0x37: {  	[sflag:s13] =	ssyncadd.s32 $0xFFFF0700  }
.Ltmp1:
0x38: {  	_ =	swait.ge [sflag:s13], $0xF900;
	(pc) =	sbr.rel @p0 .LBB2_1-.Ltmp1, $4  }
0x39: {  	[sflag:s13] =	ssyncset.done $0x0  }
0x3a: {  	[sflag:s13] =	ssyncadd.s32 $0xFFFF0700  }
0x3b: {  	_ =	swait.ge [sflag:s13], $0xF900  }
0x3c: {  	[sflag:s13] =	ssyncset.done $0x0  }
.LBB2_2:
0x3d: {  	[sflag:s13] =	ssyncadd.s32 $0xFFFF0700  }
0x3e: {  	_ =	sfence.sel $0x180000  }
0x3f: {  	[bflag:$0x0] =	sbarrier.arrive $0xFFFF  }
0x40: {  	p0 =	sne.s32 s0, $0x0;
	_ =	strace $0x90000047  }
0x41: {  	s0 =	sadd.s32 @!p0 $0x100000, s1;
	[bflag:$0x2] =	sbarrier.arrive $0xFFFF  }
0x42: {  	[sflag:s0] =	ssyncadd.tile.s32 @!p0 $0x1;
	_ =	shalt  }
.Lfunc_end2:
_tile_overlayer_lowered:
.L_overlay_start_2:
0x43: {  	(tag) =	ssettag $0x2  }
0x44: {  	s0 =	rddreg [dreg:$0x0];
	s2 =	stileid.u32  }
0x45: {  	s1 =	rddreg [dreg:$0x1];
	p0 =	sne.s32 s2, $0x0  }
0x46: {  	s3 =	rddreg [dreg:$0x2];
	[bflag:$0x3] =	sbarrier.arrive $0xFFFF;
	s2 =	simm.s32 @!p0 $0x1C03  }
0x47: {  	[timem:s3], [sflag:s2] =	dma.local @!p0 [hbm:s0], s1  }
0x48: {  	s0 =	simm.s32 @!p0 $0x3  }
0x49: {  	_ =	swait.ge @!p0 [sflag:s0], s1  }
0x4a: {  	s1 =	ssub.s32 @!p0 $0x0, s1;
	[sflag:s0] =	ssyncset.done @!p0 $0x0  }
0x4b: {  	[sflag:s0] =	ssyncadd.s32 @!p0 s1  }
0x4c: {  	[bflag:$0x3] =	sbarrier.arrive $0xFFFF  }
0x4d: {  	_ =	shalt  }

</sc_bundles>
